<compile_context>
chip_gen: v7x
topology: tpu7x:2x2x1
jax: 0.10.2.dev20260603
libtpu: 0.0.44.dev20260713+nightly
codegen_flags: <defaults>
</compile_context>

<pallas_src>
import functools

import jax
import jax.numpy as jnp
from jax import lax
from jax.experimental import pallas as pl
from jax.experimental.pallas import tpu as pltpu
from jax.experimental.pallas import tpu_sc as plsc

_TABLE_ROWS = 2048
_DIM = 2048
_BATCH = 16384

_info = plsc.get_sparse_core_info()
_NC = _info.num_cores
_NS = _info.num_subcores
_NW = _NC * _NS
_BPW = _BATCH // _NW
_CHUNK = 16
_NBUF = 2
_LOOK = 1
_NCHUNK = _BPW // _CHUNK
_NSUP = _NCHUNK // _NBUF

_mesh = plsc.VectorSubcoreMesh(core_axis_name="c", subcore_axis_name="s")


@functools.partial(
    pl.kernel,
    mesh=_mesh,
    out_type=jax.ShapeDtypeStruct((_BATCH, _DIM), jnp.float32),
    compiler_params=pltpu.CompilerParams(
        disable_bounds_checks=True, disable_semaphore_checks=True),
    scratch_types=[
        pltpu.VMEM((_BPW,), jnp.int32),
        pltpu.VMEM((_NBUF, _CHUNK, _DIM), jnp.float32),
    ]
    + [pltpu.SemaphoreType.DMA] * (2 * _NBUF),
)
def _sc_gather(table_hbm, idx_hbm, out_hbm, idx_v, bufs, *sems):
    gsems = sems[:_NBUF]
    wsems = sems[_NBUF:]
    wid = lax.axis_index("s") * _NC + lax.axis_index("c")
    base = wid * _BPW
    phase = (wid % 2) * (_NCHUNK // 2)
    pltpu.sync_copy(idx_hbm.at[pl.ds(base, _BPW)], idx_v)

    def chunk_of(c):
        return lax.rem(c + phase, _NCHUNK)

    def gather(g, s):
        g = chunk_of(g)
        ivec = idx_v[pl.ds(g * _CHUNK, _CHUNK)]
        return pltpu.async_copy(table_hbm.at[ivec], bufs.at[s], gsems[s])

    def wait_gather(g, s):
        g = chunk_of(g)
        ivec = idx_v[pl.ds(g * _CHUNK, _CHUNK)]
        pltpu.make_async_copy(table_hbm.at[ivec], bufs.at[s],
                              gsems[s]).wait()

    def scatter(g, s):
        g = chunk_of(g)
        return pltpu.async_copy(
            bufs.at[s], out_hbm.at[pl.ds(base + g * _CHUNK, _CHUNK)],
            wsems[s])

    def wait_scatter(g, s):
        g = chunk_of(g)
        pltpu.make_async_copy(
            bufs.at[s], out_hbm.at[pl.ds(base + g * _CHUNK, _CHUNK)],
            wsems[s]).wait()

    for c in range(_LOOK):
        gather(c, c % _NBUF)

    def wave(i, carry):
        for k in range(_NBUF):
            c = _NBUF * i + k
            s_ahead = (k + _LOOK) % _NBUF

            @pl.when(c + _LOOK < _NCHUNK)
            def _():
                @pl.when(c + _LOOK >= _NBUF)
                def _():
                    wait_scatter(c + _LOOK - _NBUF, s_ahead)

                gather(c + _LOOK, s_ahead)

            wait_gather(c, k)
            scatter(c, k)
        return carry

    lax.fori_loop(0, _NSUP, wave, 0)
    for k in range(_NBUF):
        wait_scatter(_NCHUNK - _NBUF + k, k)


def kernel(time, embeddings):
    idx = time.astype(jnp.int32)
    return _sc_gather(embeddings, idx)

# --- scband reference (transcript-rebuilt; emitter-appended) ---
"""Pipeline reference for scband-tfsinusoidal-position-embeddings-9337258901905 (READ-ONLY COPY).

The authoritative reference and input builder live on the scoring server;
editing this copy changes nothing except your own understanding.
"""

import jax, jax.numpy as jnp
import numpy as np

MAX_STEPS = 2048
BATCH = 16384

def _build_table():
    half_dim = MAX_STEPS // 2
    scale = np.log(10000.0) / (half_dim - 1)
    freqs = jnp.exp(jnp.arange(half_dim, dtype=jnp.float32) * -scale)
    t = jnp.arange(MAX_STEPS, dtype=jnp.float32)[:, None] * freqs[None, :]
    return jnp.concatenate([jnp.sin(t), jnp.cos(t)], axis=-1)

def setup_inputs(seed: int = 0) -> dict:
    key = jax.random.key(seed)
    time = jax.random.randint(key, (BATCH,), 0, MAX_STEPS)
    embeddings = _build_table()
    return {"time": time, "embeddings": embeddings}

def reference(time, embeddings):
    # tf.gather(self.embeddings, time)
    return jnp.take(embeddings, time, axis=0)

if __name__ == "__main__":
    import jax
    _d = setup_inputs()
    print(jax.jit(kernel)(*tuple(_d.values())))

</pallas_src>

<mosaic_0001>
#map = affine_map<(d0, d1) -> (0, 0)>
#map1 = affine_map<(d0, d1) -> (0)>
module attributes {stable_mosaic.version = 14 : i64} {
  func.func @_sc_gather(%arg0: i32, %arg1: i32, %arg2: memref<2048x2048xf32, #tpu.memory_space<hbm>>, %arg3: memref<16384xi32, #tpu.memory_space<hbm>>, %arg4: memref<16384x2048xf32, #tpu.memory_space<hbm>>, %arg5: memref<512xi32, #tpu.memory_space<vmem>>, %arg6: memref<2x16x2048xf32, #tpu.memory_space<vmem>>, %arg7: memref<!tpu.dma_semaphore, #tpu.memory_space<semaphore_mem>>, %arg8: memref<!tpu.dma_semaphore, #tpu.memory_space<semaphore_mem>>, %arg9: memref<!tpu.dma_semaphore, #tpu.memory_space<semaphore_mem>>, %arg10: memref<!tpu.dma_semaphore, #tpu.memory_space<semaphore_mem>>) attributes {dimension_semantics = [#tpu.dimension_semantics<core_parallel>, #tpu.dimension_semantics<subcore_parallel>], iteration_bounds = array<i64: 2, 16>, scalar_prefetch = 0 : i64, scratch_operands = 6 : i64, tpu.core_type = #tpu.core_type<sc_vector_subcore>, window_params = [{transform_indices = #map}, {transform_indices = #map1}, {transform_indices = #map}]} {
    %mul3A = arith.constant 2 : i32
    %mul3A_0 = arith.muli %arg1, %mul3A : i32
    %add3A = arith.addi %mul3A_0, %arg0 : i32
    %mul3A_1 = arith.constant 512 : i32
    %mul3A_2 = arith.muli %add3A, %mul3A_1 : i32
    %jit3A = arith.constant 2 : i32
    %eq3A = arith.constant 0 : i32
    %eq3A_3 = arith.cmpi eq, %jit3A, %eq3A : i32
    %jit3A_4 = arith.constant 1 : i32
    %select_n3A = arith.select %eq3A_3, %jit3A_4, %jit3A : i32
    %rem3A = arith.remsi %add3A, %select_n3A : i32
    %ne3A = arith.constant 0 : i32
    %ne3A_5 = arith.cmpi ne, %rem3A, %ne3A : i32
    %lt3A = arith.constant 0 : i32
    %lt3A_6 = arith.cmpi slt, %rem3A, %lt3A : i32
    %lt3A_7 = arith.constant 0 : i32
    %lt3A_8 = arith.cmpi slt, %select_n3A, %lt3A_7 : i32
    %ne3A_9 = arith.xori %lt3A_6, %lt3A_8 : i1
    %and3A = arith.andi %ne3A_9, %ne3A_5 : i1
    %add3A_10 = arith.addi %rem3A, %select_n3A : i32
    %select_n3A_11 = arith.select %and3A, %add3A_10, %rem3A : i32
    %mul3A_12 = arith.constant 16 : i32
    %mul3A_13 = arith.muli %select_n3A_11, %mul3A_12 : i32
    "tpu.region"() ({
      %run_scoped3A = tpu.sem_alloc : memref<!tpu.dma_semaphore, #tpu.memory_space<semaphore_mem>>
      %dma_start3A_73 = tpu.memref_slice %arg3[%mul3A_2] : memref<16384xi32, #tpu.memory_space<hbm>> -> memref<512xi32, #tpu.memory_space<hbm>>
      %dma_start3A_74 = tpu.memref_slice %arg3[%mul3A_2] : memref<16384xi32, #tpu.memory_space<hbm>> -> memref<512xi32, #tpu.memory_space<hbm>>
      tpu.enqueue_dma source(%dma_start3A_74 : memref<512xi32, #tpu.memory_space<hbm>>) target(%arg5 : memref<512xi32, #tpu.memory_space<vmem>>) target_semaphore(%run_scoped3A : memref<!tpu.dma_semaphore, #tpu.memory_space<semaphore_mem>>)
      %dma_wait3A_75 = tpu.memref_slice %arg3[%mul3A_2] : memref<16384xi32, #tpu.memory_space<hbm>> -> memref<512xi32, #tpu.memory_space<hbm>>
      %dma_wait3A_76 = tpu.memref_slice %arg3[%mul3A_2] : memref<16384xi32, #tpu.memory_space<hbm>> -> memref<512xi32, #tpu.memory_space<hbm>>
      tpu.wait_dma2 semaphore(%run_scoped3A : memref<!tpu.dma_semaphore, #tpu.memory_space<semaphore_mem>>) src(%dma_wait3A_76 : memref<512xi32, #tpu.memory_space<hbm>>) dst(%arg5 : memref<512xi32, #tpu.memory_space<vmem>>)
      tpu.yield
    }) : () -> ()
    %add3A_14 = arith.constant 0 : i32
    %add3A_15 = arith.addi %add3A_14, %mul3A_13 : i32
    %rem3A_16 = arith.constant 32 : i32
    %rem3A_17 = arith.remsi %add3A_15, %rem3A_16 : i32
    %mul3A_18 = arith.constant 16 : i32
    %mul3A_19 = arith.muli %rem3A_17, %mul3A_18 : i32
    %get3A = arith.index_cast %mul3A_19 : i32 to index
    %get3A_20 = tpu.vector_load %arg5[%get3A] {strides = array<i32>} : memref<512xi32, #tpu.memory_space<vmem>>, vector<16xi32>,
    %get3A_21 = vector.shape_cast %get3A_20 : vector<16xi32> to vector<16xi32>
    %dma_start3A = arith.constant 0 : i32
    %dma_start3A_22 = arith.constant 0 : i32
    %dma_start3A_23 = arith.constant 0 : i32
    %dma_start3A_24 = tpu.memref_slice %arg6[%dma_start3A, %dma_start3A_22, %dma_start3A_23] : memref<2x16x2048xf32, #tpu.memory_space<vmem>> -> memref<1x16x2048xf32, #tpu.memory_space<vmem>>
    %dma_start3A_25 = tpu.memref_squeeze %dma_start3A_24 : memref<1x16x2048xf32, #tpu.memory_space<vmem>> -> memref<16x2048xf32, #tpu.memory_space<vmem>>
    %dma_start3A_26 = arith.constant 0 : i32
    %dma_start3A_27 = arith.constant 0 : i32
    %dma_start3A_28 = tpu.memref_slice %arg2[%dma_start3A_26, %dma_start3A_27] : memref<2048x2048xf32, #tpu.memory_space<hbm>> -> memref<2048x2048xf32, #tpu.memory_space<hbm>>
    tpu.enqueue_indirect_dma source(%dma_start3A_28 : memref<2048x2048xf32, #tpu.memory_space<hbm>>) target(%dma_start3A_25 : memref<16x2048xf32, #tpu.memory_space<vmem>>) offsets(%get3A_21 : vector<16xi32>) semaphore(%arg7 : memref<!tpu.dma_semaphore, #tpu.memory_space<semaphore_mem>>)
    %scan3A = arith.constant 0 : i32
    %scan3A_29 = arith.constant 0 : i32
    %scan3A_30 = arith.constant 16 : i32
    %scan3A_31 = arith.addi %scan3A_29, %scan3A_30 : i32
    %scan3A_32 = arith.constant 1 : i32
    scf.for %scan3A_73 = %scan3A_29 to %scan3A_31 step %scan3A_32  : i32 {
      %mul3A_74 = arith.constant 2 : i32
      %mul3A_75 = arith.muli %mul3A_74, %scan3A_73 : i32
      %add3A_76 = arith.constant 0 : i32
      %add3A_77 = arith.addi %mul3A_75, %add3A_76 : i32
      %add3A_78 = arith.constant 1 : i32
      %add3A_79 = arith.addi %add3A_77, %add3A_78 : i32
      %lt3A_80 = arith.constant 32 : i32
      %lt3A_81 = arith.cmpi slt, %add3A_79, %lt3A_80 : i32
      %convert_element_type3A = arith.extui %lt3A_81 : i1 to i32
      %cond3A = arith.constant 0 : i32
      %cond3A_82 = arith.cmpi ne, %convert_element_type3A, %cond3A : i32
      scf.if %cond3A_82 {
        %add3A_164 = arith.constant 1 : i32
        %add3A_165 = arith.addi %add3A_77, %add3A_164 : i32
        %ge3A = arith.constant 2 : i32
        %ge3A_166 = arith.cmpi sge, %add3A_165, %ge3A : i32
        %convert_element_type3A_167 = arith.extui %ge3A_166 : i1 to i32
        %cond3A_168 = arith.constant 0 : i32
        %cond3A_169 = arith.cmpi ne, %convert_element_type3A_167, %cond3A_168 : i32
        scf.if %cond3A_169 {
          %add3A_188 = arith.constant 1 : i32
          %add3A_189 = arith.addi %add3A_77, %add3A_188 : i32
          %sub3A = arith.constant 2 : i32
          %sub3A_190 = arith.subi %add3A_189, %sub3A : i32
          %add3A_191 = arith.addi %sub3A_190, %mul3A_13 : i32
          %rem3A_192 = arith.constant 32 : i32
          %rem3A_193 = arith.remsi %add3A_191, %rem3A_192 : i32
          %mul3A_194 = arith.constant 16 : i32
          %mul3A_195 = arith.muli %rem3A_193, %mul3A_194 : i32
          %add3A_196 = arith.addi %mul3A_2, %mul3A_195 : i32
          %dma_wait3A_197 = arith.constant 1 : i32
          %dma_wait3A_198 = arith.constant 0 : i32
          %dma_wait3A_199 = arith.constant 0 : i32
          %dma_wait3A_200 = tpu.memref_slice %arg6[%dma_wait3A_197, %dma_wait3A_198, %dma_wait3A_199] : memref<2x16x2048xf32, #tpu.memory_space<vmem>> -> memref<1x16x2048xf32, #tpu.memory_space<vmem>>
          %dma_wait3A_201 = tpu.memref_squeeze %dma_wait3A_200 : memref<1x16x2048xf32, #tpu.memory_space<vmem>> -> memref<16x2048xf32, #tpu.memory_space<vmem>>
          %dma_wait3A_202 = arith.constant 0 : i32
          %dma_wait3A_203 = tpu.memref_slice %arg4[%add3A_196, %dma_wait3A_202] : memref<16384x2048xf32, #tpu.memory_space<hbm>> -> memref<16x2048xf32, #tpu.memory_space<hbm>>
          %dma_wait3A_204 = arith.constant 0 : i32
          %dma_wait3A_205 = tpu.memref_slice %arg4[%add3A_196, %dma_wait3A_204] : memref<16384x2048xf32, #tpu.memory_space<hbm>> -> memref<16x2048xf32, #tpu.memory_space<hbm>>
          %dma_wait3A_206 = arith.constant 0 : i32
          %dma_wait3A_207 = arith.constant 0 : i32
          %dma_wait3A_208 = tpu.memref_slice %arg6[%dma_wait3A_197, %dma_wait3A_206, %dma_wait3A_207] : memref<2x16x2048xf32, #tpu.memory_space<vmem>> -> memref<1x16x2048xf32, #tpu.memory_space<vmem>>
          %dma_wait3A_209 = tpu.memref_squeeze %dma_wait3A_208 : memref<1x16x2048xf32, #tpu.memory_space<vmem>> -> memref<16x2048xf32, #tpu.memory_space<vmem>>
          tpu.wait_dma2 semaphore(%arg10 : memref<!tpu.dma_semaphore, #tpu.memory_space<semaphore_mem>>) src(%dma_wait3A_209 : memref<16x2048xf32, #tpu.memory_space<vmem>>) dst(%dma_wait3A_205 : memref<16x2048xf32, #tpu.memory_space<hbm>>)
        } else {
        }
        %add3A_170 = arith.constant 1 : i32
        %add3A_171 = arith.addi %add3A_77, %add3A_170 : i32
        %add3A_172 = arith.addi %add3A_171, %mul3A_13 : i32
        %rem3A_173 = arith.constant 32 : i32
        %rem3A_174 = arith.remsi %add3A_172, %rem3A_173 : i32
        %mul3A_175 = arith.constant 16 : i32
        %mul3A_176 = arith.muli %rem3A_174, %mul3A_175 : i32
        %get3A_177 = arith.index_cast %mul3A_176 : i32 to index
        %get3A_178 = tpu.vector_load %arg5[%get3A_177] {strides = array<i32>} : memref<512xi32, #tpu.memory_space<vmem>>, vector<16xi32>,
        %get3A_179 = vector.shape_cast %get3A_178 : vector<16xi32> to vector<16xi32>
        %dma_start3A_180 = arith.constant 1 : i32
        %dma_start3A_181 = arith.constant 0 : i32
        %dma_start3A_182 = arith.constant 0 : i32
        %dma_start3A_183 = tpu.memref_slice %arg6[%dma_start3A_180, %dma_start3A_181, %dma_start3A_182] : memref<2x16x2048xf32, #tpu.memory_space<vmem>> -> memref<1x16x2048xf32, #tpu.memory_space<vmem>>
        %dma_start3A_184 = tpu.memref_squeeze %dma_start3A_183 : memref<1x16x2048xf32, #tpu.memory_space<vmem>> -> memref<16x2048xf32, #tpu.memory_space<vmem>>
        %dma_start3A_185 = arith.constant 0 : i32
        %dma_start3A_186 = arith.constant 0 : i32
        %dma_start3A_187 = tpu.memref_slice %arg2[%dma_start3A_185, %dma_start3A_186] : memref<2048x2048xf32, #tpu.memory_space<hbm>> -> memref<2048x2048xf32, #tpu.memory_space<hbm>>
        tpu.enqueue_indirect_dma source(%dma_start3A_187 : memref<2048x2048xf32, #tpu.memory_space<hbm>>) target(%dma_start3A_184 : memref<16x2048xf32, #tpu.memory_space<vmem>>) offsets(%get3A_179 : vector<16xi32>) semaphore(%arg8 : memref<!tpu.dma_semaphore, #tpu.memory_space<semaphore_mem>>)
      } else {
      }
      %add3A_83 = arith.addi %add3A_77, %mul3A_13 : i32
      %rem3A_84 = arith.constant 32 : i32
      %rem3A_85 = arith.remsi %add3A_83, %rem3A_84 : i32
      %mul3A_86 = arith.constant 16 : i32
      %mul3A_87 = arith.muli %rem3A_85, %mul3A_86 : i32
      %get3A_88 = arith.index_cast %mul3A_87 : i32 to index
      %get3A_89 = tpu.vector_load %arg5[%get3A_88] {strides = array<i32>} : memref<512xi32, #tpu.memory_space<vmem>>, vector<16xi32>,
      %get3A_90 = vector.shape_cast %get3A_89 : vector<16xi32> to vector<16xi32>
      %dma_wait3A_91 = arith.constant 0 : i32
      %dma_wait3A_92 = arith.constant 0 : i32
      %dma_wait3A_93 = arith.constant 0 : i32
      %dma_wait3A_94 = tpu.memref_slice %arg6[%dma_wait3A_91, %dma_wait3A_92, %dma_wait3A_93] : memref<2x16x2048xf32, #tpu.memory_space<vmem>> -> memref<1x16x2048xf32, #tpu.memory_space<vmem>>
      %dma_wait3A_95 = tpu.memref_squeeze %dma_wait3A_94 : memref<1x16x2048xf32, #tpu.memory_space<vmem>> -> memref<16x2048xf32, #tpu.memory_space<vmem>>
      %dma_wait3A_96 = arith.constant 0 : i32
      %dma_wait3A_97 = arith.constant 0 : i32
      %dma_wait3A_98 = tpu.memref_slice %arg2[%dma_wait3A_96, %dma_wait3A_97] : memref<2048x2048xf32, #tpu.memory_space<hbm>> -> memref<2048x2048xf32, #tpu.memory_space<hbm>>
      tpu.wait_indirect_dma semaphore(%arg7 : memref<!tpu.dma_semaphore, #tpu.memory_space<semaphore_mem>>) src(%dma_wait3A_98 : memref<2048x2048xf32, #tpu.memory_space<hbm>>) dst(%dma_wait3A_95 : memref<16x2048xf32, #tpu.memory_space<vmem>>)
      %add3A_99 = arith.addi %add3A_77, %mul3A_13 : i32
      %rem3A_100 = arith.constant 32 : i32
      %rem3A_101 = arith.remsi %add3A_99, %rem3A_100 : i32
      %mul3A_102 = arith.constant 16 : i32
      %mul3A_103 = arith.muli %rem3A_101, %mul3A_102 : i32
      %add3A_104 = arith.addi %mul3A_2, %mul3A_103 : i32
      %dma_start3A_105 = arith.constant 0 : i32
      %dma_start3A_106 = arith.constant 0 : i32
      %dma_start3A_107 = arith.constant 0 : i32
      %dma_start3A_108 = tpu.memref_slice %arg6[%dma_start3A_105, %dma_start3A_106, %dma_start3A_107] : memref<2x16x2048xf32, #tpu.memory_space<vmem>> -> memref<1x16x2048xf32, #tpu.memory_space<vmem>>
      %dma_start3A_109 = tpu.memref_squeeze %dma_start3A_108 : memref<1x16x2048xf32, #tpu.memory_space<vmem>> -> memref<16x2048xf32, #tpu.memory_space<vmem>>
      %dma_start3A_110 = arith.constant 0 : i32
      %dma_start3A_111 = tpu.memref_slice %arg4[%add3A_104, %dma_start3A_110] : memref<16384x2048xf32, #tpu.memory_space<hbm>> -> memref<16x2048xf32, #tpu.memory_space<hbm>>
      %dma_start3A_112 = arith.constant 0 : i32
      %dma_start3A_113 = tpu.memref_slice %arg4[%add3A_104, %dma_start3A_112] : memref<16384x2048xf32, #tpu.memory_space<hbm>> -> memref<16x2048xf32, #tpu.memory_space<hbm>>
      %dma_start3A_114 = arith.constant 0 : i32
      %dma_start3A_115 = arith.constant 0 : i32
      %dma_start3A_116 = tpu.memref_slice %arg6[%dma_start3A_105, %dma_start3A_114, %dma_start3A_115] : memref<2x16x2048xf32, #tpu.memory_space<vmem>> -> memref<1x16x2048xf32, #tpu.memory_space<vmem>>
      %dma_start3A_117 = tpu.memref_squeeze %dma_start3A_116 : memref<1x16x2048xf32, #tpu.memory_space<vmem>> -> memref<16x2048xf32, #tpu.memory_space<vmem>>
      tpu.enqueue_dma source(%dma_start3A_117 : memref<16x2048xf32, #tpu.memory_space<vmem>>) target(%dma_start3A_113 : memref<16x2048xf32, #tpu.memory_space<hbm>>) target_semaphore(%arg9 : memref<!tpu.dma_semaphore, #tpu.memory_space<semaphore_mem>>)
      %mul3A_118 = arith.constant 2 : i32
      %mul3A_119 = arith.muli %mul3A_118, %scan3A_73 : i32
      %add3A_120 = arith.constant 1 : i32
      %add3A_121 = arith.addi %mul3A_119, %add3A_120 : i32
      %add3A_122 = arith.constant 1 : i32
      %add3A_123 = arith.addi %add3A_121, %add3A_122 : i32
      %lt3A_124 = arith.constant 32 : i32
      %lt3A_125 = arith.cmpi slt, %add3A_123, %lt3A_124 : i32
      %convert_element_type3A_126 = arith.extui %lt3A_125 : i1 to i32
      %cond3A_127 = arith.constant 0 : i32
      %cond3A_128 = arith.cmpi ne, %convert_element_type3A_126, %cond3A_127 : i32
      scf.if %cond3A_128 {
        %add3A_164 = arith.constant 1 : i32
        %add3A_165 = arith.addi %add3A_121, %add3A_164 : i32
        %ge3A = arith.constant 2 : i32
        %ge3A_166 = arith.cmpi sge, %add3A_165, %ge3A : i32
        %convert_element_type3A_167 = arith.extui %ge3A_166 : i1 to i32
        %cond3A_168 = arith.constant 0 : i32
        %cond3A_169 = arith.cmpi ne, %convert_element_type3A_167, %cond3A_168 : i32
        scf.if %cond3A_169 {
          %add3A_188 = arith.constant 1 : i32
          %add3A_189 = arith.addi %add3A_121, %add3A_188 : i32
          %sub3A = arith.constant 2 : i32
          %sub3A_190 = arith.subi %add3A_189, %sub3A : i32
          %add3A_191 = arith.addi %sub3A_190, %mul3A_13 : i32
          %rem3A_192 = arith.constant 32 : i32
          %rem3A_193 = arith.remsi %add3A_191, %rem3A_192 : i32
          %mul3A_194 = arith.constant 16 : i32
          %mul3A_195 = arith.muli %rem3A_193, %mul3A_194 : i32
          %add3A_196 = arith.addi %mul3A_2, %mul3A_195 : i32
          %dma_wait3A_197 = arith.constant 0 : i32
          %dma_wait3A_198 = arith.constant 0 : i32
          %dma_wait3A_199 = arith.constant 0 : i32
          %dma_wait3A_200 = tpu.memref_slice %arg6[%dma_wait3A_197, %dma_wait3A_198, %dma_wait3A_199] : memref<2x16x2048xf32, #tpu.memory_space<vmem>> -> memref<1x16x2048xf32, #tpu.memory_space<vmem>>
          %dma_wait3A_201 = tpu.memref_squeeze %dma_wait3A_200 : memref<1x16x2048xf32, #tpu.memory_space<vmem>> -> memref<16x2048xf32, #tpu.memory_space<vmem>>
          %dma_wait3A_202 = arith.constant 0 : i32
          %dma_wait3A_203 = tpu.memref_slice %arg4[%add3A_196, %dma_wait3A_202] : memref<16384x2048xf32, #tpu.memory_space<hbm>> -> memref<16x2048xf32, #tpu.memory_space<hbm>>
          %dma_wait3A_204 = arith.constant 0 : i32
          %dma_wait3A_205 = tpu.memref_slice %arg4[%add3A_196, %dma_wait3A_204] : memref<16384x2048xf32, #tpu.memory_space<hbm>> -> memref<16x2048xf32, #tpu.memory_space<hbm>>
          %dma_wait3A_206 = arith.constant 0 : i32
          %dma_wait3A_207 = arith.constant 0 : i32
          %dma_wait3A_208 = tpu.memref_slice %arg6[%dma_wait3A_197, %dma_wait3A_206, %dma_wait3A_207] : memref<2x16x2048xf32, #tpu.memory_space<vmem>> -> memref<1x16x2048xf32, #tpu.memory_space<vmem>>
          %dma_wait3A_209 = tpu.memref_squeeze %dma_wait3A_208 : memref<1x16x2048xf32, #tpu.memory_space<vmem>> -> memref<16x2048xf32, #tpu.memory_space<vmem>>
          tpu.wait_dma2 semaphore(%arg9 : memref<!tpu.dma_semaphore, #tpu.memory_space<semaphore_mem>>) src(%dma_wait3A_209 : memref<16x2048xf32, #tpu.memory_space<vmem>>) dst(%dma_wait3A_205 : memref<16x2048xf32, #tpu.memory_space<hbm>>)
        } else {
        }
        %add3A_170 = arith.constant 1 : i32
        %add3A_171 = arith.addi %add3A_121, %add3A_170 : i32
        %add3A_172 = arith.addi %add3A_171, %mul3A_13 : i32
        %rem3A_173 = arith.constant 32 : i32
        %rem3A_174 = arith.remsi %add3A_172, %rem3A_173 : i32
        %mul3A_175 = arith.constant 16 : i32
        %mul3A_176 = arith.muli %rem3A_174, %mul3A_175 : i32
        %get3A_177 = arith.index_cast %mul3A_176 : i32 to index
        %get3A_178 = tpu.vector_load %arg5[%get3A_177] {strides = array<i32>} : memref<512xi32, #tpu.memory_space<vmem>>, vector<16xi32>,
        %get3A_179 = vector.shape_cast %get3A_178 : vector<16xi32> to vector<16xi32>
        %dma_start3A_180 = arith.constant 0 : i32
        %dma_start3A_181 = arith.constant 0 : i32
        %dma_start3A_182 = arith.constant 0 : i32
        %dma_start3A_183 = tpu.memref_slice %arg6[%dma_start3A_180, %dma_start3A_181, %dma_start3A_182] : memref<2x16x2048xf32, #tpu.memory_space<vmem>> -> memref<1x16x2048xf32, #tpu.memory_space<vmem>>
        %dma_start3A_184 = tpu.memref_squeeze %dma_start3A_183 : memref<1x16x2048xf32, #tpu.memory_space<vmem>> -> memref<16x2048xf32, #tpu.memory_space<vmem>>
        %dma_start3A_185 = arith.constant 0 : i32
        %dma_start3A_186 = arith.constant 0 : i32
        %dma_start3A_187 = tpu.memref_slice %arg2[%dma_start3A_185, %dma_start3A_186] : memref<2048x2048xf32, #tpu.memory_space<hbm>> -> memref<2048x2048xf32, #tpu.memory_space<hbm>>
        tpu.enqueue_indirect_dma source(%dma_start3A_187 : memref<2048x2048xf32, #tpu.memory_space<hbm>>) target(%dma_start3A_184 : memref<16x2048xf32, #tpu.memory_space<vmem>>) offsets(%get3A_179 : vector<16xi32>) semaphore(%arg7 : memref<!tpu.dma_semaphore, #tpu.memory_space<semaphore_mem>>)
      } else {
      }
      %add3A_129 = arith.addi %add3A_121, %mul3A_13 : i32
      %rem3A_130 = arith.constant 32 : i32
      %rem3A_131 = arith.remsi %add3A_129, %rem3A_130 : i32
      %mul3A_132 = arith.constant 16 : i32
      %mul3A_133 = arith.muli %rem3A_131, %mul3A_132 : i32
      %get3A_134 = arith.index_cast %mul3A_133 : i32 to index
      %get3A_135 = tpu.vector_load %arg5[%get3A_134] {strides = array<i32>} : memref<512xi32, #tpu.memory_space<vmem>>, vector<16xi32>,
      %get3A_136 = vector.shape_cast %get3A_135 : vector<16xi32> to vector<16xi32>
      %dma_wait3A_137 = arith.constant 1 : i32
      %dma_wait3A_138 = arith.constant 0 : i32
      %dma_wait3A_139 = arith.constant 0 : i32
      %dma_wait3A_140 = tpu.memref_slice %arg6[%dma_wait3A_137, %dma_wait3A_138, %dma_wait3A_139] : memref<2x16x2048xf32, #tpu.memory_space<vmem>> -> memref<1x16x2048xf32, #tpu.memory_space<vmem>>
      %dma_wait3A_141 = tpu.memref_squeeze %dma_wait3A_140 : memref<1x16x2048xf32, #tpu.memory_space<vmem>> -> memref<16x2048xf32, #tpu.memory_space<vmem>>
      %dma_wait3A_142 = arith.constant 0 : i32
      %dma_wait3A_143 = arith.constant 0 : i32
      %dma_wait3A_144 = tpu.memref_slice %arg2[%dma_wait3A_142, %dma_wait3A_143] : memref<2048x2048xf32, #tpu.memory_space<hbm>> -> memref<2048x2048xf32, #tpu.memory_space<hbm>>
      tpu.wait_indirect_dma semaphore(%arg8 : memref<!tpu.dma_semaphore, #tpu.memory_space<semaphore_mem>>) src(%dma_wait3A_144 : memref<2048x2048xf32, #tpu.memory_space<hbm>>) dst(%dma_wait3A_141 : memref<16x2048xf32, #tpu.memory_space<vmem>>)
      %add3A_145 = arith.addi %add3A_121, %mul3A_13 : i32
      %rem3A_146 = arith.constant 32 : i32
      %rem3A_147 = arith.remsi %add3A_145, %rem3A_146 : i32
      %mul3A_148 = arith.constant 16 : i32
      %mul3A_149 = arith.muli %rem3A_147, %mul3A_148 : i32
      %add3A_150 = arith.addi %mul3A_2, %mul3A_149 : i32
      %dma_start3A_151 = arith.constant 1 : i32
      %dma_start3A_152 = arith.constant 0 : i32
      %dma_start3A_153 = arith.constant 0 : i32
      %dma_start3A_154 = tpu.memref_slice %arg6[%dma_start3A_151, %dma_start3A_152, %dma_start3A_153] : memref<2x16x2048xf32, #tpu.memory_space<vmem>> -> memref<1x16x2048xf32, #tpu.memory_space<vmem>>
      %dma_start3A_155 = tpu.memref_squeeze %dma_start3A_154 : memref<1x16x2048xf32, #tpu.memory_space<vmem>> -> memref<16x2048xf32, #tpu.memory_space<vmem>>
      %dma_start3A_156 = arith.constant 0 : i32
      %dma_start3A_157 = tpu.memref_slice %arg4[%add3A_150, %dma_start3A_156] : memref<16384x2048xf32, #tpu.memory_space<hbm>> -> memref<16x2048xf32, #tpu.memory_space<hbm>>
      %dma_start3A_158 = arith.constant 0 : i32
      %dma_start3A_159 = tpu.memref_slice %arg4[%add3A_150, %dma_start3A_158] : memref<16384x2048xf32, #tpu.memory_space<hbm>> -> memref<16x2048xf32, #tpu.memory_space<hbm>>
      %dma_start3A_160 = arith.constant 0 : i32
      %dma_start3A_161 = arith.constant 0 : i32
      %dma_start3A_162 = tpu.memref_slice %arg6[%dma_start3A_151, %dma_start3A_160, %dma_start3A_161] : memref<2x16x2048xf32, #tpu.memory_space<vmem>> -> memref<1x16x2048xf32, #tpu.memory_space<vmem>>
      %dma_start3A_163 = tpu.memref_squeeze %dma_start3A_162 : memref<1x16x2048xf32, #tpu.memory_space<vmem>> -> memref<16x2048xf32, #tpu.memory_space<vmem>>
      tpu.enqueue_dma source(%dma_start3A_163 : memref<16x2048xf32, #tpu.memory_space<vmem>>) target(%dma_start3A_159 : memref<16x2048xf32, #tpu.memory_space<hbm>>) target_semaphore(%arg10 : memref<!tpu.dma_semaphore, #tpu.memory_space<semaphore_mem>>)
    }
    %scan3A_33 = arith.constant 16 : i32
    %add3A_34 = arith.constant 30 : i32
    %add3A_35 = arith.addi %add3A_34, %mul3A_13 : i32
    %rem3A_36 = arith.constant 32 : i32
    %rem3A_37 = arith.remsi %add3A_35, %rem3A_36 : i32
    %mul3A_38 = arith.constant 16 : i32
    %mul3A_39 = arith.muli %rem3A_37, %mul3A_38 : i32
    %add3A_40 = arith.addi %mul3A_2, %mul3A_39 : i32
    %dma_wait3A = arith.constant 0 : i32
    %dma_wait3A_41 = arith.constant 0 : i32
    %dma_wait3A_42 = arith.constant 0 : i32
    %dma_wait3A_43 = tpu.memref_slice %arg6[%dma_wait3A, %dma_wait3A_41, %dma_wait3A_42] : memref<2x16x2048xf32, #tpu.memory_space<vmem>> -> memref<1x16x2048xf32, #tpu.memory_space<vmem>>
    %dma_wait3A_44 = tpu.memref_squeeze %dma_wait3A_43 : memref<1x16x2048xf32, #tpu.memory_space<vmem>> -> memref<16x2048xf32, #tpu.memory_space<vmem>>
    %dma_wait3A_45 = arith.constant 0 : i32
    %dma_wait3A_46 = tpu.memref_slice %arg4[%add3A_40, %dma_wait3A_45] : memref<16384x2048xf32, #tpu.memory_space<hbm>> -> memref<16x2048xf32, #tpu.memory_space<hbm>>
    %dma_wait3A_47 = arith.constant 0 : i32
    %dma_wait3A_48 = tpu.memref_slice %arg4[%add3A_40, %dma_wait3A_47] : memref<16384x2048xf32, #tpu.memory_space<hbm>> -> memref<16x2048xf32, #tpu.memory_space<hbm>>
    %dma_wait3A_49 = arith.constant 0 : i32
    %dma_wait3A_50 = arith.constant 0 : i32
    %dma_wait3A_51 = tpu.memref_slice %arg6[%dma_wait3A, %dma_wait3A_49, %dma_wait3A_50] : memref<2x16x2048xf32, #tpu.memory_space<vmem>> -> memref<1x16x2048xf32, #tpu.memory_space<vmem>>
    %dma_wait3A_52 = tpu.memref_squeeze %dma_wait3A_51 : memref<1x16x2048xf32, #tpu.memory_space<vmem>> -> memref<16x2048xf32, #tpu.memory_space<vmem>>
    tpu.wait_dma2 semaphore(%arg9 : memref<!tpu.dma_semaphore, #tpu.memory_space<semaphore_mem>>) src(%dma_wait3A_52 : memref<16x2048xf32, #tpu.memory_space<vmem>>) dst(%dma_wait3A_48 : memref<16x2048xf32, #tpu.memory_space<hbm>>)
    %add3A_53 = arith.constant 31 : i32
    %add3A_54 = arith.addi %add3A_53, %mul3A_13 : i32
    %rem3A_55 = arith.constant 32 : i32
    %rem3A_56 = arith.remsi %add3A_54, %rem3A_55 : i32
    %mul3A_57 = arith.constant 16 : i32
    %mul3A_58 = arith.muli %rem3A_56, %mul3A_57 : i32
    %add3A_59 = arith.addi %mul3A_2, %mul3A_58 : i32
    %dma_wait3A_60 = arith.constant 1 : i32
    %dma_wait3A_61 = arith.constant 0 : i32
    %dma_wait3A_62 = arith.constant 0 : i32
    %dma_wait3A_63 = tpu.memref_slice %arg6[%dma_wait3A_60, %dma_wait3A_61, %dma_wait3A_62] : memref<2x16x2048xf32, #tpu.memory_space<vmem>> -> memref<1x16x2048xf32, #tpu.memory_space<vmem>>
    %dma_wait3A_64 = tpu.memref_squeeze %dma_wait3A_63 : memref<1x16x2048xf32, #tpu.memory_space<vmem>> -> memref<16x2048xf32, #tpu.memory_space<vmem>>
    %dma_wait3A_65 = arith.constant 0 : i32
    %dma_wait3A_66 = tpu.memref_slice %arg4[%add3A_59, %dma_wait3A_65] : memref<16384x2048xf32, #tpu.memory_space<hbm>> -> memref<16x2048xf32, #tpu.memory_space<hbm>>
    %dma_wait3A_67 = arith.constant 0 : i32
    %dma_wait3A_68 = tpu.memref_slice %arg4[%add3A_59, %dma_wait3A_67] : memref<16384x2048xf32, #tpu.memory_space<hbm>> -> memref<16x2048xf32, #tpu.memory_space<hbm>>
    %dma_wait3A_69 = arith.constant 0 : i32
    %dma_wait3A_70 = arith.constant 0 : i32
    %dma_wait3A_71 = tpu.memref_slice %arg6[%dma_wait3A_60, %dma_wait3A_69, %dma_wait3A_70] : memref<2x16x2048xf32, #tpu.memory_space<vmem>> -> memref<1x16x2048xf32, #tpu.memory_space<vmem>>
    %dma_wait3A_72 = tpu.memref_squeeze %dma_wait3A_71 : memref<1x16x2048xf32, #tpu.memory_space<vmem>> -> memref<16x2048xf32, #tpu.memory_space<vmem>>
    tpu.wait_dma2 semaphore(%arg10 : memref<!tpu.dma_semaphore, #tpu.memory_space<semaphore_mem>>) src(%dma_wait3A_72 : memref<16x2048xf32, #tpu.memory_space<vmem>>) dst(%dma_wait3A_68 : memref<16x2048xf32, #tpu.memory_space<hbm>>)
    return
  }
}

</mosaic_0001>

<sc_bundles>
// kernel: kernel.3.cloned.1.call-start
scs
__scs_entry_jumppad:
0x0: {  	(pc) =	sbr.rel $0x88, $3  }
0x1: {  	(tag) =	ssettag $0x0;
	lr =	simm.s32 $0x1  }
0x2: {  	[smem:$0x3F9F] =	sst lr;
	_ =	strace $0xD0000000  }
0x3: {  	_ = 	snop  }
0x4: {  	_ = 	snop  }
0x5: {  	_ = 	snop  }
0x6: {  	_ = 	snop  }
0x7: {  	_ = 	snop  }
__scs_overlays_trampoline_lowered:
0x8: {  	[smem:$0x3FAE] =	sst s0  }
0x9: {  	[smem:$0x3FAF] =	sst s1  }
0xa: {  	[smem:$0x3FB0] =	sst s2  }
0xb: {  	[smem:$0x3FB1] =	sst s3  }
0xc: {  	[smem:$0x3FB2] =	sst s4  }
0xd: {  	[smem:$0x3FB3] =	sst s5  }
0xe: {  	[smem:$0x3FB4] =	sst s6  }
0xf: {  	[smem:$0x3FB5] =	sst s7  }
0x10: {  	[smem:$0x3FB6] =	sst s8  }
0x11: {  	[smem:$0x3FB7] =	sst s9;
	s0 =	simm.s32 @!p0 $0x0  }
0x12: {  	s1 =	sld [smem:$0x3F9D];
	s0 =	simm.s32 @p0 $0x1  }
0x13: {  	[smem:$0x3FB8] =	sst s0;
	s0 =	simm.s32 @!p1 $0x0  }
0x14: {  	s2 =	sld [smem:$0x3F9C];
	s0 =	simm.s32 @p1 $0x1  }
0x15: {  	[smem:$0x3FB9] =	sst s0;
	s0 =	simm.s32 @!p2 $0x0  }
0x16: {  	s3 =	sld [smem:$0x3FDB];
	s0 =	simm.s32 @p2 $0x1  }
0x17: {  	s4 =	simm.s32 $0x1BF5;
	[smem:$0x3FBB] =	sst s0  }
0x18: {  	s0 =	sld [smem:$0x3F9E];
	_ =	swait.ge [sflag:s4], $0x0  }
0x19: {  	s7 =	sld [smem:$0x3F9F]  }
0x1a: {  	s8 =	sadd.s32 $0xFFFFE003, lr  }
0x1b: {  	s9 =	sadd.s32 $0xFFFFFEF7, lr;
	s5 =	simm.s32 $0xFFFFFFFF;
	p2 =	slt.u32 s8, $0xFFFFF086  }
0x1c: {  	p1 =	slt.u32 s9, $0xF7A;
	s5 =	simm.s32 @!p2 $0x0  }
0x1d: {  	s5 =	simm.s32 @p1 $0x1;
	p0 =	seq.s32 s7, s2  }
0x1e: {  	s7 =	smul.u32 @!p0 $0xF7A, s2;
	p2 =	seq.s32 @!p0 s5, $0x0  }
0x1f: {  	s9 =	smul.u32 $0xF7A, s1;
	s8 =	simm.s32 @!p0 $0x1BF5;
	p2 =	por !p2, p0  }
0x20: {  	[sflag:s8] =	ssyncset.s32 @!p0 $0xFFFFF086;
	s6 =	sadd.s32 @!p0 s3, s7;
	s7 =	simm.s32 @!p0 $0x108  }
0x21: {  	s3 =	sadd.s32 s3, s9;
	s6 =	sadd.s32 @!p0 $0x88, s6;
	s7 =	simm.s32 @p2 $0x1082  }
0x22: {  	[simem:s7], [sflag:s8] =	dma.local @!p0 [hbm:s6], $0xF7A  }
0x23: {  	s9 =	sor.u32 $0xD0000000, s2;
	s6 =	simm.s32 $0x108;
	_ =	swait.ge @!p0 [sflag:s8], $0x0  }
0x24: {  	s3 =	sadd.s32 $0x88, s3;
	s6 =	simm.s32 @!p1 $0x1082;
	[sflag:s4] =	ssyncset.s32 $0xFFFFF086  }
0x25: {  	[simem:s6], [sflag:s4] =	dma.local [hbm:s3], $0xF7A  }
0x26: {  	[smem:$0x3F9F] =	sst s1;
	(tag) =	ssettag s2;
	_ =	strace s9  }
0x27: {  	s1 =	sld [smem:$0x3FAF]  }
0x28: {  	s2 =	sld [smem:$0x3FB0]  }
0x29: {  	s4 =	sld [smem:$0x3FB2]  }
0x2a: {  	p0 =	seq.s32 s5, $0x0;
	s5 =	sld [smem:$0x3FB3]  }
0x2b: {  	s6 =	sld [smem:$0x3FB4]  }
0x2c: {  	s7 =	sld [smem:$0x3FB5]  }
0x2d: {  	s3 =	simm.s32 $0x108;
	s8 =	sld [smem:$0x3FB6]  }
0x2e: {  	s3 =	simm.s32 @!p0 $0x1082;
	s9 =	sld [smem:$0x3FB7]  }
0x2f: {  	lr =	sadd.s32 s0, s3;
	s0 =	sld [smem:$0x3FAE]  }
0x30: {  	s3 =	sld [smem:$0x3FB1]  }
0x31: {  	[smem:$0x3FBA] =	sst s10  }
0x32: {  	s10 =	sld [smem:$0x3FB8];
	_ =	sdelay $0x3  }
0x33: {  	p0 =	seq.s32 s10, $0x1;
	s10 =	sld [smem:$0x3FBA];
	_ =	sdelay $0x3  }
0x34: {  	[smem:$0x3FBA] =	sst s10  }
0x35: {  	s10 =	sld [smem:$0x3FB9];
	_ =	sdelay $0x3  }
0x36: {  	p1 =	seq.s32 s10, $0x1;
	s10 =	sld [smem:$0x3FBA];
	_ =	sdelay $0x3  }
0x37: {  	[smem:$0x3FBA] =	sst s10  }
0x38: {  	s10 =	sld [smem:$0x3FBB]  }
0x39: {  	_ = 	snop;
	(pc) =	sbr.ind lr, $3  }
0x3a: {  	_ = 	snop  }
0x3b: {  	_ = 	snop  }
0x3c: {  	p2 =	seq.s32 s10, $0x1;
	s10 =	sld [smem:$0x3FBA]  }
0x3d: {  	_ =	shalt  }
0x3e: {  	_ =	shalt  }
0x3f: {  	_ =	shalt  }
0x40: {  	_ =	shalt  }
0x41: {  	_ =	shalt  }
0x42: {  	_ =	shalt  }
0x43: {  	_ =	shalt  }
0x44: {  	_ =	shalt  }
0x45: {  	_ =	shalt  }
0x46: {  	_ =	shalt  }
0x47: {  	_ =	shalt  }
0x48: {  	_ =	shalt  }
0x49: {  	_ =	shalt  }
0x4a: {  	_ =	shalt  }
0x4b: {  	_ =	shalt  }
0x4c: {  	_ =	shalt  }
0x4d: {  	_ =	shalt  }
0x4e: {  	_ =	shalt  }
0x4f: {  	_ =	shalt  }
0x50: {  	_ =	shalt  }
0x51: {  	_ =	shalt  }
0x52: {  	_ =	shalt  }
0x53: {  	_ =	shalt  }
0x54: {  	_ =	shalt  }
0x55: {  	_ =	shalt  }
0x56: {  	_ =	shalt  }
0x57: {  	_ =	shalt  }
0x58: {  	_ =	shalt  }
0x59: {  	_ =	shalt  }
0x5a: {  	_ =	shalt  }
0x5b: {  	_ =	shalt  }
0x5c: {  	_ =	shalt  }
0x5d: {  	_ =	shalt  }
0x5e: {  	_ =	shalt  }
0x5f: {  	_ =	shalt  }
0x60: {  	_ =	shalt  }
0x61: {  	_ =	shalt  }
0x62: {  	_ =	shalt  }
0x63: {  	_ =	shalt  }
0x64: {  	_ =	shalt  }
0x65: {  	_ =	shalt  }
0x66: {  	_ =	shalt  }
0x67: {  	_ =	shalt  }
0x68: {  	_ =	shalt  }
0x69: {  	_ =	shalt  }
0x6a: {  	_ =	shalt  }
0x6b: {  	_ =	shalt  }
0x6c: {  	_ =	shalt  }
0x6d: {  	_ =	shalt  }
0x6e: {  	_ =	shalt  }
0x6f: {  	_ =	shalt  }
0x70: {  	_ =	shalt  }
0x71: {  	_ =	shalt  }
0x72: {  	_ =	shalt  }
0x73: {  	_ =	shalt  }
0x74: {  	_ =	shalt  }
0x75: {  	_ =	shalt  }
0x76: {  	_ =	shalt  }
0x77: {  	_ =	shalt  }
0x78: {  	_ =	shalt  }
0x79: {  	_ =	shalt  }
0x7a: {  	_ =	shalt  }
0x7b: {  	_ =	shalt  }
0x7c: {  	_ =	shalt  }
0x7d: {  	_ =	shalt  }
0x7e: {  	_ =	shalt  }
0x7f: {  	_ =	shalt  }
0x80: {  	_ =	shalt  }
0x81: {  	_ =	shalt  }
0x82: {  	_ =	shalt  }
0x83: {  	_ =	shalt  }
0x84: {  	_ =	shalt  }
0x85: {  	_ =	shalt  }
0x86: {  	_ =	shalt  }
0x87: {  	_ =	shalt  }
.Lfunc_end0:
.L_simem_size_0:
called_computation_lowered:
.L_overlay_start_0:
0x88: {  	s2 =	sld [smem:$0x3FD9]  }
0x89: {  	s3 =	sld [smem:$0x3FFE];
	_ =	sdelay $0x1  }
0x8a: {  	s1 =	srdreg.scid  }
0x8b: {  	s0 =	sand.u32 $0x1, s1  }
0x8c: {  	s18 =	sshll.u32 s0, $0xA;
	s2 =	sadd.s32 s3, s2  }
0x8d: {  	s2 =	sadd.s32 s2, s18  }
0x8e: {  	[smem:$0x3FC6] =	sst s2  }
0x8f: {  	_ = 	snop  }
0x90: {  	s2 =	sld [smem:$0x3FC9]  }
0x91: {  	s19 =	sld [smem:$0x3FC8]  }
0x92: {  	s4 =	sld [smem:$0x3FD0];
	(tm) =	ssettm $0x1  }
0x93: {  	s5 =	sld [smem:$0x3FFB];
	_ =	sdelay $0x3  }
0x94: {  	_ =	strace s5  }
0x95: {  	s5 =	sld [smem:$0x3FFC];
	_ =	sdelay $0x3  }
0x96: {  	_ =	strace s5  }
0x97: {  	s5 =	sld [smem:$0x3FFD];
	_ =	sdelay $0x3  }
0x98: {  	_ =	strace s5  }
0x99: {  	_ =	strace $0x8FFFFFFF  }
0x9a: {  	s20 =	sld [smem:$0x3FDB];
	_ =	sdelay $0x1  }
0x9b: {  	s6 =	simm.s32 $_scs_section_size  }
0x9c: {  	s7 =	simm.s32 $_size__tile_overlayer_lowered;
	s8 =	simm.s32 $_tile_overlayer_lowered  }
0x9d: {  	s23 =	simm.s32 $0x1BFF;
	s22 =	sshll.u32 s8, $0x1;
	s5 =	sadd.s32 s6, s20  }
0x9e: {  	s9 =	simm.s32 $0x0;
	s21 =	sshll.u32 s7, $0x1;
	s7 =	sadd.s32 s22, s5  }
0x9f: {  	[timem:s9], [sflag:s23] =	dma.local [hbm:s7], s21  }
0xa0: {  	_ =	swait.ge [sflag:s23], s21  }
0xa1: {  	s6 =	ssub.s32 $0x0, s21;
	[sflag:s23] =	ssyncset.done $0x0  }
0xa2: {  	[sflag:s23] =	ssyncadd.s32 s6;
	_ =	sdelay $0x1  }
0xa3: {  	s24 =	simm.s32 $0x1B8B  }
0xa4: {  	_ =	swait.ge [sflag:s24], $0x1  }
0xa5: {  	[sflag:s24] =	ssyncset.done $0x0  }
0xa6: {  	s25 =	simm.s32 $0x1B8E;
	[sflag:s24] =	ssyncadd.s32 $0xFFFFFFFF  }
0xa7: {  	s26 =	simm.s32 $execute0_lowered;
	[smem:$0x3FD2] =	sst s25  }
0xa8: {  	s6 =	sshll.u32 s26, $0x1;
	_ =	strace $0x80000046;
	[dreg:$0x1] =	wrdreg $0xFFFFFFFF  }
0xa9: {  	s28 =	simm.s32 $_size_execute0_lowered;
	s5 =	sadd.s32 s5, s6;
	[dreg:$0x0] =	wrdreg $0x0  }
0xaa: {  	s6 =	sshll.u32 s28, $0x1;
	[dreg:$0x2] =	wrdreg s5  }
0xab: {  	[dreg:$0x3] =	wrdreg s6  }
0xac: {  	[dreg:$0x4] =	wrdreg $0xC0  }
0xad: {  	_ =	task [dreg:s9], $0x5FFFF  }
0xae: {  	[dreg:$0x1] =	wrdreg $0xFFFFFFFF  }
0xaf: {  	[dreg:$0x0] =	wrdreg $0x60  }
0xb0: {  	[dreg:$0x2] =	wrdreg s19  }
0xb1: {  	[dreg:$0x3] =	wrdreg s2  }
0xb2: {  	[dreg:$0x4] =	wrdreg s4  }
0xb3: {  	[dreg:$0x5] =	wrdreg $0x9  }
0xb4: {  	_ =	task.clear_ibuf [dreg:s9], $0x6FFFF;
	_ =	strace $0x90000046  }
0xb5: {  	s29 =	simm.s32 $0x9;
	_ =	strace $0x80000048  }
0xb6: {  	_ =	swait.ge [sflag:s29], $0x1  }
0xb7: {  	[sflag:s29] =	ssyncadd.s32 $0xFFFFFFFF  }
0xb8: {  	_ =	strace $0x90000048  }
0xb9: {  	_ =	sfence  }
0xba: {  	s30 =	sld [smem:$0x0];
	_ =	sdelay $0x2  }
0xbb: {  	s31 =	sshll.u32 s1, $0xD;
	s1 =	sshrl.u32 s1, $0x2  }
0xbc: {  	s3 =	sand.u32 $0x4000, s31;
	s1 =	sadd.s32 s1, s30  }
0xbd: {  	s0 =	sor.u32 s3, s0;
	s1 =	sshll.u32 s1, $0x11  }
0xbe: {  	s0 =	sor.u32 s1, s0  }
0xbf: {  	s0 =	sadd.s32 $0x8F2B, s0  }
0xc0: {  	[sflag:s0] =	ssyncadd.remote.s32 $0x1  }
0xc1: {  	_ =	sfence.sel $0xFFFF  }
0xc2: {  	[dreg:$0x0] =	wrdreg $0xFFFFFFFF;
	(pc) =	sbr.abs _section_cstart, $3  }
0xc3: {  	[dreg:$0x1] =	wrdreg $0xFFFFFFFF  }
0xc4: {  	_ =	task.clear_ibuf [dreg:s9], $0x2FFFF;
	_ =	strace $0x9FFFFFFF  }
0xc5: {  	(tm) =	ssettm $0x7FFFFFFF  }
tec
execute0_lowered:
.L_overlay_start_1:
0x0: {  	(tag) =	ssettag $0x1  }
0x1: {  	s1 =	rddreg [dreg:$0x0]  }
0x2: {  	s0 =	rddreg [dreg:$0x1]  }
0x3: {  	s2 =	rddreg [dreg:$0x2];
	s3 =	srdreg.scid  }
0x4: {  	s4 =	stileid.u32;
	s28 =	simm.s32 $0x8A00;
	s29 =	simm.s32 $0x9200  }
0x5: {  	s30 =	simm.s32 $0x9A00;
	s15 =	sand.u32 $0x1, s3;
	s3 =	simm.s32 $0x0  }
0x6: {  	s16 =	simm.s32 $0xA200;
	s17 =	simm.s32 $0xAA00;
	[smem:$0x7FF] =	sst s3  }
0x7: {  	s18 =	simm.s32 $0xB200;
	_ =	strace $0x80000047;
	[dreg:$0x4] =	wrdreg s28  }
0x8: {  	s20 =	simm.s32 $0xBA00;
	s21 =	simm.s32 $0xC200;
	[dreg:$0x5] =	wrdreg s29  }
0x9: {  	s22 =	simm.s32 $0xCA00;
	s23 =	simm.s32 $0xD200;
	[dreg:$0x6] =	wrdreg s30  }
0xa: {  	s24 =	simm.s32 $0xDA00;
	s25 =	simm.s32 $0xE200;
	[dreg:$0x7] =	wrdreg s16  }
0xb: {  	s31 =	simm.s32 $0x6200;
	s4 =	sshll.u32 s4, $0xA;
	[dreg:$0x8] =	wrdreg s17  }
0xc: {  	s7 =	sadd.s32 $0x200, s1;
	s8 =	sadd.s32 $0x300, s1;
	[dreg:$0x9] =	wrdreg s18  }
0xd: {  	s9 =	sadd.s32 $0x400, s1;
	s10 =	sadd.s32 $0x500, s1;
	[dreg:$0xa] =	wrdreg s20  }
0xe: {  	s11 =	sadd.s32 $0x600, s1;
	s12 =	sadd.s32 $0x700, s1;
	[dreg:$0xb] =	wrdreg s21  }
0xf: {  	s5 =	sshll.u32 s15, $0x9;
	s6 =	ssub.s32 $0x2, s15;
	[dreg:$0xc] =	wrdreg s22  }
0x10: {  	s19 =	sshll.u32 s15, $0x10;
	s13 =	sor.u32 s5, s4;
	[dreg:$0xd] =	wrdreg s23  }
0x11: {  	s26 =	sshrl.u32 s6, $0x1;
	s16 =	simm.s32 $0x5;
	[dreg:$0xe] =	wrdreg s24  }
0x12: {  	s18 =	simm.s32 $0x200;
	[dreg:$0xf] =	wrdreg s25;
	s28 =	simm.s32 $0xEA00  }
0x13: {  	s29 =	simm.s32 $0xF200;
	s30 =	simm.s32 $0xFA00;
	s20 =	simm.s32 $0x8200  }
0x14: {  	s21 =	simm.s32 $0x1;
	s22 =	simm.s32 $0x2;
	s23 =	simm.s32 $0x3  }
0x15: {  	s24 =	simm.s32 $0x4;
	s25 =	simm.s32 $0x0;
	s5 =	sshrl.u32 s13, $0x3  }
0x16: {  	s14 =	ssub.s32 s6, s26;
	s6 =	sadd.s32 $0x100, s1;
	[dreg:$0x10] =	wrdreg s28  }
0x17: {  	s13 =	sshll.u32 s13, $0x8;
	s26 =	sor.u32 $0x1000, s19;
	[dreg:$0x11] =	wrdreg s29  }
0x18: {  	v2 =	vlaneseq.u32;
	[dreg:$0x12] =	wrdreg s30;
	s19 =	simm.s32 $0x7A00;
	s4 =	sadd.s32 s0, s5  }
0x19: {  	vm0 =	vmmov $0xffff;
	v1 =	vshrl.u32 v2, $0x3;
	s5 =	sshll.u32 s15, $0xA;
	s13 =	sadd.s32 s2, s13;
	s14 =	smax.u32 s14, $0x1  }
0x1a: {  	v0 =	vand.u32 $0x7, v2;
	v2 =	vor.u32 $0x8, v2;
	v1 =	vmul.u32 $0x8, v1;
	s0 =	simm.s32 $0x6A00;
	s2 =	simm.s32 $0x7200;
	s17 =	sshrl.u32 s5, $0x2  }
.LBB2_1:
0x1b: {  	[tilespmem:s3], [sflag:$0x5] =	stream.linear.gather [hbm4b:s4+s3], $0x200, $0x38;
	[tilespmem:$0x10200] =	vst v63  }
0x1c: {  	_ =	swait.ge [sflag:s16], $0x200  }
0x1d: {  	[sflag:s16] =	ssyncset.done $0x0  }
0x1e: {  	[sflag:s16] =	ssyncadd.s32 $0xFFFFFE00  }
0x1f: {  	v3 =	vld [tilespmem:s17+$0x0];
	_ =	sdelay $0x4  }
0x20: {  	v4 =	vshll.u32 v3, $0x4  }
0x21: {  	v3 =	vand.u32 $0x7, v3;
	v4 =	vand.u32 $0xFFFFFF80, v4  }
0x22: {  	v3 =	vor.u32 v3, v4  }
0x23: {  	v4 =	vperm.xlane v3, v0;
	_ =	sdelay $0x1  }
0x24: {  	v4 =	vadd.s32 v1, v4;
	_ =	sdelay $0x4  }
0x25: {  	[tilespmem:s18], [sflag:$0x1] =	stream.indirect_vreg.gather [hbm4b:s1+s3], $0x80, v4, vm0, $0xb8;
	[tilespmem:$0x10200] =	vst v63  }
0x26: {  	s15 =	simm.s32 $0xA00  }
0x27: {  	[tilespmem:s15], [sflag:$0x1] =	stream.indirect_vreg.gather [hbm4b:s6+s3], $0x80, v4, vm0, $0xb8;
	[tilespmem:$0x10200] =	vst v63  }
0x28: {  	s29 =	simm.s32 $0x1200  }
0x29: {  	[tilespmem:s29], [sflag:$0x1] =	stream.indirect_vreg.gather [hbm4b:s7+s3], $0x80, v4, vm0, $0xb8;
	[tilespmem:$0x10200] =	vst v63  }
0x2a: {  	s30 =	simm.s32 $0x1A00  }
0x2b: {  	[tilespmem:s30], [sflag:$0x1] =	stream.indirect_vreg.gather [hbm4b:s8+s3], $0x80, v4, vm0, $0xb8;
	[tilespmem:$0x10200] =	vst v63  }
0x2c: {  	s29 =	simm.s32 $0x2200  }
0x2d: {  	[tilespmem:s29], [sflag:$0x1] =	stream.indirect_vreg.gather [hbm4b:s9+s3], $0x80, v4, vm0, $0xb8;
	[tilespmem:$0x10200] =	vst v63  }
0x2e: {  	v3 =	vperm.xlane v3, v2;
	s30 =	simm.s32 $0x2A00  }
0x2f: {  	[tilespmem:s30], [sflag:$0x1] =	stream.indirect_vreg.gather [hbm4b:s10+s3], $0x80, v4, vm0, $0xb8;
	[tilespmem:$0x10200] =	vst v63  }
0x30: {  	v3 =	vadd.s32 v1, v3;
	s29 =	simm.s32 $0x3200  }
0x31: {  	[tilespmem:s29], [sflag:$0x1] =	stream.indirect_vreg.gather [hbm4b:s11+s3], $0x80, v4, vm0, $0xb8;
	[tilespmem:$0x10200] =	vst v63  }
0x32: {  	s30 =	simm.s32 $0x3A00  }
0x33: {  	[tilespmem:s30], [sflag:$0x1] =	stream.indirect_vreg.gather [hbm4b:s12+s3], $0x80, v4, vm0, $0xb8;
	[tilespmem:$0x10200] =	vst v63  }
0x34: {  	s29 =	simm.s32 $0x4200  }
0x35: {  	[tilespmem:s29], [sflag:$0x1] =	stream.indirect_vreg.gather [hbm4b:s1+s3], $0x80, v3, vm0, $0xb8;
	[tilespmem:$0x10200] =	vst v63  }
0x36: {  	s30 =	simm.s32 $0x4A00  }
0x37: {  	[tilespmem:s30], [sflag:$0x1] =	stream.indirect_vreg.gather [hbm4b:s6+s3], $0x80, v3, vm0, $0xb8;
	[tilespmem:$0x10200] =	vst v63  }
0x38: {  	s29 =	simm.s32 $0x5200  }
0x39: {  	[tilespmem:s29], [sflag:$0x1] =	stream.indirect_vreg.gather [hbm4b:s7+s3], $0x80, v3, vm0, $0xb8;
	[tilespmem:$0x10200] =	vst v63  }
0x3a: {  	s30 =	simm.s32 $0x5A00  }
0x3b: {  	[tilespmem:s30], [sflag:$0x1] =	stream.indirect_vreg.gather [hbm4b:s8+s3], $0x80, v3, vm0, $0xb8;
	[tilespmem:$0x10200] =	vst v63  }
0x3c: {  	_ = 	snop  }
0x3d: {  	[tilespmem:s31], [sflag:$0x1] =	stream.indirect_vreg.gather [hbm4b:s9+s3], $0x80, v3, vm0, $0xb8;
	[tilespmem:$0x10200] =	vst v63  }
0x3e: {  	_ = 	snop  }
0x3f: {  	[tilespmem:s0], [sflag:$0x1] =	stream.indirect_vreg.gather [hbm4b:s10+s3], $0x80, v3, vm0, $0xb8;
	[tilespmem:$0x10200] =	vst v63  }
0x40: {  	_ = 	snop  }
0x41: {  	[tilespmem:s2], [sflag:$0x1] =	stream.indirect_vreg.gather [hbm4b:s11+s3], $0x80, v3, vm0, $0xb8;
	[tilespmem:$0x10200] =	vst v63  }
0x42: {  	s28 =	simm.s32 $0x0;
	s15 =	smov.u32 s26  }
0x43: {  	[tilespmem:s19], [sflag:$0x1] =	stream.indirect_vreg.gather [hbm4b:s12+s3], $0x80, v3, vm0, $0xb8;
	[tilespmem:$0x10200] =	vst v63  }
.LBB2_2:
0x44: {  	p0 =	seq.s32 s28, $0x0  }
0x45: {  	s30 =	sadd.s32 s28, s5;
	s29 =	simm.s32 @!p0 $0x4  }
0x46: {  	s30 =	sadd.s32 $0x40, s30;
	_ =	swait.ge @!p0 [sflag:s29], $0x8000  }
0x47: {  	s30 =	sand.u32 $0x7C0, s30;
	[sflag:s29] =	ssyncset.done @!p0 $0x0  }
0x48: {  	s30 =	sshrl.u32 s30, $0x2;
	[sflag:s29] =	ssyncadd.s32 @!p0 $0xFFFF8000  }
0x49: {  	v3 =	vld [tilespmem:s30+$0x0];
	_ =	sdelay $0x4  }
0x4a: {  	v4 =	vshll.u32 v3, $0x4  }
0x4b: {  	v3 =	vand.u32 $0x7, v3;
	v4 =	vand.u32 $0xFFFFFF80, v4  }
0x4c: {  	v3 =	vor.u32 v3, v4  }
0x4d: {  	v4 =	vperm.xlane v3, v0;
	_ =	sdelay $0x1  }
0x4e: {  	v4 =	vadd.s32 v1, v4;
	_ =	sdelay $0x4  }
0x4f: {  	[tilespmem:s20], [sflag:$0x2] =	stream.indirect_vreg.gather [hbm4b:s1+s3], $0x80, v4, vm0, $0xb8;
	[tilespmem:$0x10200] =	vst v63  }
0x50: {  	s29 =	rddreg [dreg:$0x4]  }
0x51: {  	[tilespmem:s29], [sflag:$0x2] =	stream.indirect_vreg.gather [hbm4b:s6+s3], $0x80, v4, vm0, $0xb8;
	[tilespmem:$0x10200] =	vst v63  }
0x52: {  	s30 =	rddreg [dreg:$0x5]  }
0x53: {  	[tilespmem:s30], [sflag:$0x2] =	stream.indirect_vreg.gather [hbm4b:s7+s3], $0x80, v4, vm0, $0xb8;
	[tilespmem:$0x10200] =	vst v63  }
0x54: {  	s29 =	rddreg [dreg:$0x6]  }
0x55: {  	[tilespmem:s29], [sflag:$0x2] =	stream.indirect_vreg.gather [hbm4b:s8+s3], $0x80, v4, vm0, $0xb8;
	[tilespmem:$0x10200] =	vst v63  }
0x56: {  	s30 =	rddreg [dreg:$0x7]  }
0x57: {  	[tilespmem:s30], [sflag:$0x2] =	stream.indirect_vreg.gather [hbm4b:s9+s3], $0x80, v4, vm0, $0xb8;
	[tilespmem:$0x10200] =	vst v63  }
0x58: {  	v3 =	vperm.xlane v3, v2;
	s29 =	rddreg [dreg:$0x8]  }
0x59: {  	[tilespmem:s29], [sflag:$0x2] =	stream.indirect_vreg.gather [hbm4b:s10+s3], $0x80, v4, vm0, $0xb8;
	[tilespmem:$0x10200] =	vst v63  }
0x5a: {  	v3 =	vadd.s32 v1, v3;
	s30 =	rddreg [dreg:$0x9]  }
0x5b: {  	[tilespmem:s30], [sflag:$0x2] =	stream.indirect_vreg.gather [hbm4b:s11+s3], $0x80, v4, vm0, $0xb8;
	[tilespmem:$0x10200] =	vst v63  }
0x5c: {  	s29 =	rddreg [dreg:$0xa]  }
0x5d: {  	[tilespmem:s29], [sflag:$0x2] =	stream.indirect_vreg.gather [hbm4b:s12+s3], $0x80, v4, vm0, $0xb8;
	[tilespmem:$0x10200] =	vst v63  }
0x5e: {  	s30 =	rddreg [dreg:$0xb]  }
0x5f: {  	[tilespmem:s30], [sflag:$0x2] =	stream.indirect_vreg.gather [hbm4b:s1+s3], $0x80, v3, vm0, $0xb8;
	[tilespmem:$0x10200] =	vst v63  }
0x60: {  	s29 =	rddreg [dreg:$0xc]  }
0x61: {  	[tilespmem:s29], [sflag:$0x2] =	stream.indirect_vreg.gather [hbm4b:s6+s3], $0x80, v3, vm0, $0xb8;
	[tilespmem:$0x10200] =	vst v63  }
0x62: {  	s30 =	rddreg [dreg:$0xd]  }
0x63: {  	[tilespmem:s30], [sflag:$0x2] =	stream.indirect_vreg.gather [hbm4b:s7+s3], $0x80, v3, vm0, $0xb8;
	[tilespmem:$0x10200] =	vst v63  }
0x64: {  	s29 =	rddreg [dreg:$0xe]  }
0x65: {  	[tilespmem:s29], [sflag:$0x2] =	stream.indirect_vreg.gather [hbm4b:s8+s3], $0x80, v3, vm0, $0xb8;
	[tilespmem:$0x10200] =	vst v63  }
0x66: {  	s30 =	rddreg [dreg:$0xf]  }
0x67: {  	[tilespmem:s30], [sflag:$0x2] =	stream.indirect_vreg.gather [hbm4b:s9+s3], $0x80, v3, vm0, $0xb8;
	[tilespmem:$0x10200] =	vst v63  }
0x68: {  	s29 =	rddreg [dreg:$0x10]  }
0x69: {  	[tilespmem:s29], [sflag:$0x2] =	stream.indirect_vreg.gather [hbm4b:s10+s3], $0x80, v3, vm0, $0xb8;
	[tilespmem:$0x10200] =	vst v63  }
0x6a: {  	s30 =	rddreg [dreg:$0x11]  }
0x6b: {  	[tilespmem:s30], [sflag:$0x2] =	stream.indirect_vreg.gather [hbm4b:s11+s3], $0x80, v3, vm0, $0xb8;
	[tilespmem:$0x10200] =	vst v63  }
0x6c: {  	s29 =	rddreg [dreg:$0x12]  }
0x6d: {  	[tilespmem:s29], [sflag:$0x2] =	stream.indirect_vreg.gather [hbm4b:s12+s3], $0x80, v3, vm0, $0xb8;
	[tilespmem:$0x10200] =	vst v63  }
0x6e: {  	s30 =	sadd.s32 $0xFFFFF000, s15;
	_ =	swait.ge [sflag:s21], $0x8000  }
0x6f: {  	s29 =	sand.u32 $0x1E000, s30;
	[sflag:s21] =	ssyncset.done $0x0  }
0x70: {  	p0 =	seq.s32 s28, $0x780;
	s29 =	sadd.s32 s29, s13;
	[sflag:s21] =	ssyncadd.s32 $0xFFFF8000  }
0x71: {  	[hbm4b:s29+s3] =	stream.linear.scatter [tilespmem:s18], [sflag:$0x3], $0x8000, $0x38;
	[tilespmem:$0x10200] =	vst v63  }
0x72: {  	s30 =	sadd.s32 @!p0 s28, s5;
	s29 =	simm.s32 @!p0 $0x3  }
0x73: {  	s30 =	sadd.s32 @!p0 $0x80, s30;
	_ =	swait.ge @!p0 [sflag:s29], $0x8000  }
0x74: {  	s30 =	sand.u32 @!p0 $0x780, s30;
	[sflag:s29] =	ssyncset.done @!p0 $0x0  }
0x75: {  	[sflag:s29] =	ssyncadd.s32 @!p0 $0xFFFF8000;
	s29 =	sshrl.u32 @!p0 s30, $0x2  }
0x76: {  	v3 =	vld @!p0 [tilespmem:s29+$0x0];
	_ =	sdelay $0x4  }
0x77: {  	v4 =	vshll.u32 @!p0 v3, $0x4  }
0x78: {  	v5 =	vlaneseq.u32 @!p0;
	v3 =	vand.u32 @!p0 $0x7, v3;
	v4 =	vand.u32 @!p0 $0xFFFFFF80, v4  }
0x79: {  	v6 =	vshrl.u32 @!p0 v5, $0x3;
	v3 =	vor.u32 @!p0 v3, v4;
	v4 =	vand.u32 @!p0 $0x7, v5  }
0x7a: {  	v6 =	vmul.u32 @!p0 $0x8, v6;
	v4 =	vperm.xlane @!p0 v3, v4;
	_ =	sdelay $0x1  }
0x7b: {  	v4 =	vadd.s32 @!p0 v6, v4;
	_ =	sdelay $0x3  }
0x7c: {  	vm1 =	vmmov @!p0 $0xffff;
	s30 =	simm.s32 @!p0 $0x200;
	s29 =	simm.s32 @!p0 $0x0  }
0x7d: {  	[tilespmem:s30], [sflag:$0x1] =	stream.indirect_vreg.gather @!p0 [hbm4b:s1+s29], $0x80, v4, vm1, $0xb8;
	[tilespmem:$0x10200] =	vst v63  }
0x7e: {  	s30 =	simm.s32 @!p0 $0xA00  }
0x7f: {  	[tilespmem:s30], [sflag:$0x1] =	stream.indirect_vreg.gather @!p0 [hbm4b:s6+s29], $0x80, v4, vm1, $0xb8;
	[tilespmem:$0x10200] =	vst v63  }
0x80: {  	s30 =	simm.s32 @!p0 $0x1200  }
0x81: {  	[tilespmem:s30], [sflag:$0x1] =	stream.indirect_vreg.gather @!p0 [hbm4b:s7+s29], $0x80, v4, vm1, $0xb8;
	[tilespmem:$0x10200] =	vst v63  }
0x82: {  	s30 =	simm.s32 @!p0 $0x1A00  }
0x83: {  	[tilespmem:s30], [sflag:$0x1] =	stream.indirect_vreg.gather @!p0 [hbm4b:s8+s29], $0x80, v4, vm1, $0xb8;
	[tilespmem:$0x10200] =	vst v63  }
0x84: {  	s30 =	simm.s32 @!p0 $0x2200  }
0x85: {  	v5 =	vor.u32 @!p0 $0x8, v5;
	[tilespmem:s30], [sflag:$0x1] =	stream.indirect_vreg.gather @!p0 [hbm4b:s9+s29], $0x80, v4, vm1, $0xb8;
	[tilespmem:$0x10200] =	vst v63  }
0x86: {  	v3 =	vperm.xlane @!p0 v3, v5;
	s30 =	simm.s32 @!p0 $0x2A00  }
0x87: {  	[tilespmem:s30], [sflag:$0x1] =	stream.indirect_vreg.gather @!p0 [hbm4b:s10+s29], $0x80, v4, vm1, $0xb8;
	[tilespmem:$0x10200] =	vst v63  }
0x88: {  	v3 =	vadd.s32 @!p0 v6, v3;
	s30 =	simm.s32 @!p0 $0x3200  }
0x89: {  	[tilespmem:s30], [sflag:$0x1] =	stream.indirect_vreg.gather @!p0 [hbm4b:s11+s29], $0x80, v4, vm1, $0xb8;
	[tilespmem:$0x10200] =	vst v63  }
0x8a: {  	s30 =	simm.s32 @!p0 $0x3A00  }
0x8b: {  	[tilespmem:s30], [sflag:$0x1] =	stream.indirect_vreg.gather @!p0 [hbm4b:s12+s29], $0x80, v4, vm1, $0xb8;
	[tilespmem:$0x10200] =	vst v63  }
0x8c: {  	s30 =	simm.s32 @!p0 $0x4200  }
0x8d: {  	[tilespmem:s30], [sflag:$0x1] =	stream.indirect_vreg.gather @!p0 [hbm4b:s1+s29], $0x80, v3, vm1, $0xb8;
	[tilespmem:$0x10200] =	vst v63  }
0x8e: {  	s30 =	simm.s32 @!p0 $0x4A00  }
0x8f: {  	[tilespmem:s30], [sflag:$0x1] =	stream.indirect_vreg.gather @!p0 [hbm4b:s6+s29], $0x80, v3, vm1, $0xb8;
	[tilespmem:$0x10200] =	vst v63  }
0x90: {  	s30 =	simm.s32 @!p0 $0x5200  }
0x91: {  	[tilespmem:s30], [sflag:$0x1] =	stream.indirect_vreg.gather @!p0 [hbm4b:s7+s29], $0x80, v3, vm1, $0xb8;
	[tilespmem:$0x10200] =	vst v63  }
0x92: {  	s30 =	simm.s32 @!p0 $0x5A00  }
0x93: {  	[tilespmem:s30], [sflag:$0x1] =	stream.indirect_vreg.gather @!p0 [hbm4b:s8+s29], $0x80, v3, vm1, $0xb8;
	[tilespmem:$0x10200] =	vst v63  }
0x94: {  	s30 =	simm.s32 @!p0 $0x6200  }
0x95: {  	[tilespmem:s30], [sflag:$0x1] =	stream.indirect_vreg.gather @!p0 [hbm4b:s9+s29], $0x80, v3, vm1, $0xb8;
	[tilespmem:$0x10200] =	vst v63  }
0x96: {  	s30 =	simm.s32 @!p0 $0x6A00  }
0x97: {  	[tilespmem:s30], [sflag:$0x1] =	stream.indirect_vreg.gather @!p0 [hbm4b:s10+s29], $0x80, v3, vm1, $0xb8;
	[tilespmem:$0x10200] =	vst v63  }
0x98: {  	s30 =	simm.s32 @!p0 $0x7200  }
0x99: {  	[tilespmem:s30], [sflag:$0x1] =	stream.indirect_vreg.gather @!p0 [hbm4b:s11+s29], $0x80, v3, vm1, $0xb8;
	[tilespmem:$0x10200] =	vst v63  }
0x9a: {  	s28 =	sadd.s32 $0x80, s28;
	s30 =	simm.s32 @!p0 $0x7A00  }
0x9b: {  	[tilespmem:s30], [sflag:$0x1] =	stream.indirect_vreg.gather @!p0 [hbm4b:s12+s29], $0x80, v3, vm1, $0xb8;
	[tilespmem:$0x10200] =	vst v63  }
0x9c: {  	p0 =	sne.s32 s28, $0x800  }
.Ltmp0:
0x9d: {  	_ = 	snop;
	(pc) =	sbr.rel @p0 .LBB2_2-.Ltmp0, $4  }
0x9e: {  	_ =	swait.ge [sflag:s22], $0x8000  }
0x9f: {  	s30 =	sand.u32 $0x1F000, s15;
	[sflag:s22] =	ssyncset.done $0x0  }
0xa0: {  	s15 =	sadd.s32 $0x2000, s15;
	s29 =	sadd.s32 s30, s13;
	[sflag:s22] =	ssyncadd.s32 $0xFFFF8000  }
0xa1: {  	[hbm4b:s29+s3] =	stream.linear.scatter [tilespmem:s20], [sflag:$0x4], $0x8000, $0x38;
	[tilespmem:$0x10200] =	vst v63  }
0xa2: {  	s25 =	sadd.s32 $0x1, s25  }
0xa3: {  	_ =	swait.ge [sflag:s23], $0x8000;
	p0 =	sne.s32 s25, s14  }
.Ltmp1:
0xa4: {  	[sflag:s23] =	ssyncset.done $0x0;
	(pc) =	sbr.rel @p0 .LBB2_1-.Ltmp1, $4  }
0xa5: {  	[sflag:s23] =	ssyncadd.s32 $0xFFFF8000  }
0xa6: {  	_ =	swait.ge [sflag:s24], $0x8000  }
0xa7: {  	[sflag:s24] =	ssyncset.done $0x0  }
0xa8: {  	[sflag:s24] =	ssyncadd.s32 $0xFFFF8000  }
0xa9: {  	_ =	sfence.sel $0x180000  }
0xaa: {  	[bflag:$0x0] =	sbarrier.arrive $0xFFFF  }
0xab: {  	_ =	strace $0x90000047  }
0xac: {  	s0 =	stileid.u32;
	[bflag:$0x2] =	sbarrier.arrive $0xFFFF  }
0xad: {  	p0 =	sne.s32 s0, $0x0;
	s0 =	rddreg [dreg:$0x3]  }
0xae: {  	s0 =	sadd.s32 @!p0 $0x100000, s0  }
0xaf: {  	[sflag:s0] =	ssyncadd.tile.s32 @!p0 $0x1;
	_ =	shalt  }
.Lfunc_end2:
_tile_overlayer_lowered:
.L_overlay_start_2:
0xb0: {  	(tag) =	ssettag $0x2  }
0xb1: {  	s0 =	rddreg [dreg:$0x0];
	s2 =	stileid.u32  }
0xb2: {  	s1 =	rddreg [dreg:$0x1];
	p0 =	sne.s32 s2, $0x0  }
0xb3: {  	s3 =	rddreg [dreg:$0x2];
	[bflag:$0x3] =	sbarrier.arrive $0xFFFF;
	s2 =	simm.s32 @!p0 $0x1C05  }
0xb4: {  	[timem:s3], [sflag:s2] =	dma.local @!p0 [hbm:s0], s1  }
0xb5: {  	s0 =	simm.s32 @!p0 $0x5  }
0xb6: {  	_ =	swait.ge @!p0 [sflag:s0], s1  }
0xb7: {  	s1 =	ssub.s32 @!p0 $0x0, s1;
	[sflag:s0] =	ssyncset.done @!p0 $0x0  }
0xb8: {  	[sflag:s0] =	ssyncadd.s32 @!p0 s1  }
0xb9: {  	[bflag:$0x3] =	sbarrier.arrive $0xFFFF  }
0xba: {  	_ =	shalt  }

</sc_bundles>
